<compile_context>
chip_gen: v7x
topology: tpu7x:2x2x1
jax: 0.10.2.dev20260603
libtpu: 0.0.44.dev20260713+nightly
codegen_flags: <defaults>
</compile_context>

<pallas_src>
import functools

import jax
import jax.numpy as jnp
from jax import lax
from jax.experimental import pallas as pl
from jax.experimental.pallas import tpu as pltpu
from jax.experimental.pallas import tpu_sc as plsc

NC = 2
NS = 16
NW = NC * NS

N = 10000
E = 320000
H = 64
G = 16

N_ACC = 10112
KB = 80
EPT = KB * 128
E_PAD = NW * EPT
ROWS_PT = N_ACC // NS


def _sc_mesh():
    return plsc.VectorSubcoreMesh(
        core_axis_name="c", subcore_axis_name="s",
        num_cores=NC, num_subcores=NS)



def _deg_body(dst_hbm, ones_hbm, z_hbm, out_hbm, didx, ones_v, acc_sp):
    cid = lax.axis_index("c")
    sid = lax.axis_index("s")
    r0 = sid * ROWS_PT
    pltpu.sync_copy(z_hbm.at[pl.ds(r0, ROWS_PT)], acc_sp.at[pl.ds(r0, ROWS_PT)])
    pltpu.sync_copy(ones_hbm, ones_v)
    base = (cid * NS + sid) * EPT
    plsc.subcore_barrier()

    def body(j, carry):
        pltpu.sync_copy(dst_hbm.at[pl.ds(base + j * 128, 128)], didx)
        pltpu.sync_copy(ones_v, acc_sp.at[didx], add=True)
        return carry

    lax.fori_loop(0, KB, body, 0)
    plsc.subcore_barrier()
    pltpu.sync_copy(acc_sp.at[pl.ds(r0, ROWS_PT)],
                    out_hbm.at[pl.ds(cid * N_ACC + r0, ROWS_PT)])


@functools.partial(jax.jit)
def _deg_sc(dst_flat, ones_wide, z_wide):
    fn = pl.kernel(
        _deg_body,
        out_type=jax.ShapeDtypeStruct((NC * N_ACC, 128), jnp.float32),
        mesh=_sc_mesh(),
        scratch_types=[
            pltpu.VMEM((128,), jnp.int32),
            pltpu.VMEM((128, 128), jnp.float32),
            pltpu.VMEM_SHARED((N_ACC, 128), jnp.float32),
        ],
    )
    return fn(dst_flat, ones_wide, z_wide)


NBUF = 4
BSZ = 64
E0PT = 18432
E1PT = 2048
E0TOT = NS * E0PT
NR0 = E0PT // (NBUF * BSZ)
NR1 = E1PT // (NBUF * BSZ)


def _conv_body(p_hbm, src_hbm, dst_hbm, z_hbm, out_hbm, *scr):
    sidx = list(scr[0:NBUF])
    didx = list(scr[NBUF:2 * NBUF])
    rows = list(scr[2 * NBUF:3 * NBUF])
    acc_sp = scr[3 * NBUF]
    isem = scr[3 * NBUF + 1]
    gsem = list(scr[3 * NBUF + 2:3 * NBUF + 2 + NBUF])
    ssem = list(scr[3 * NBUF + 2 + NBUF:3 * NBUF + 2 + 2 * NBUF])
    cid = lax.axis_index("c")
    sid = lax.axis_index("s")
    row0 = sid * ROWS_PT
    pltpu.sync_copy(z_hbm.at[pl.ds(row0, ROWS_PT)],
                    acc_sp.at[pl.ds(row0, ROWS_PT)])
    base = jnp.where(cid == 0, sid * E0PT, E0TOT + sid * E1PT)
    nr = jnp.where(cid == 0, NR0, NR1)
    plsc.subcore_barrier()

    def round_body(r, carry):
        for b in range(NBUF):
            @pl.when(r > 0)
            def _(b=b):
                pltpu.make_async_copy(
                    rows[b], acc_sp.at[didx[b]], ssem[b]).wait()

        for b in range(NBUF):
            j = r * NBUF + b
            pltpu.async_copy(
                src_hbm.at[pl.ds(base + j * BSZ, BSZ)], sidx[b], isem)
            pltpu.async_copy(
                dst_hbm.at[pl.ds(base + j * BSZ, BSZ)], didx[b], isem)
        for b in range(NBUF):
            j = r * NBUF + b
            pltpu.make_async_copy(
                src_hbm.at[pl.ds(base + j * BSZ, BSZ)], sidx[b], isem).wait()
            pltpu.make_async_copy(
                dst_hbm.at[pl.ds(base + j * BSZ, BSZ)], didx[b], isem).wait()
        for b in range(NBUF):
            pltpu.async_copy(p_hbm.at[sidx[b]], rows[b], gsem[b])
        for b in range(NBUF):
            pltpu.make_async_copy(
                p_hbm.at[sidx[b]], rows[b], gsem[b]).wait()
            pltpu.async_copy(rows[b], acc_sp.at[didx[b]], ssem[b], add=True)
        return carry

    lax.fori_loop(0, nr, round_body, 0)
    for b in range(NBUF):
        pltpu.make_async_copy(rows[b], acc_sp.at[didx[b]], ssem[b]).wait()
    plsc.subcore_barrier()
    pltpu.sync_copy(acc_sp.at[pl.ds(row0, ROWS_PT)],
                    out_hbm.at[pl.ds(cid * N_ACC + row0, ROWS_PT)])


@functools.partial(jax.jit)
def _conv_sc(p_wide, src_flat, dst_flat, z_wide):
    fn = pl.kernel(
        _conv_body,
        out_type=jax.ShapeDtypeStruct((NC * N_ACC, 128), jnp.float32),
        mesh=_sc_mesh(),
        scratch_types=(
            [pltpu.VMEM((BSZ,), jnp.int32) for _ in range(2 * NBUF)]
            + [pltpu.VMEM((BSZ, 128), jnp.float32) for _ in range(NBUF)]
            + [pltpu.VMEM_SHARED((N_ACC, 128), jnp.float32)]
            + [pltpu.SemaphoreType.DMA for _ in range(2 * NBUF + 1)]
        ),
    )
    return fn(p_wide, src_flat, dst_flat, z_wide)



def _wide(p):
    return jnp.concatenate([
        jnp.concatenate([p, jnp.zeros((N, 128 - H), jnp.float32)], axis=1),
        jnp.zeros((N_ACC - N, 128), jnp.float32)], axis=0)


def _tc1_body(degp_ref, x_ref, w1_ref, p1_ref, dinv_ref):
    deg = 1.0 + degp_ref[0:N, 0:1] + degp_ref[N_ACC:N_ACC + N, 0:1]
    dinv = 1.0 / jnp.sqrt(deg)
    hw = jnp.dot(x_ref[...], w1_ref[...], preferred_element_type=jnp.float32)
    p1_ref[...] = _wide(dinv * hw)
    dinv_ref[...] = dinv


def _tc1(degp, x, W1):
    return pl.pallas_call(
        _tc1_body,
        out_shape=(jax.ShapeDtypeStruct((N_ACC, 128), jnp.float32),
                   jax.ShapeDtypeStruct((N, 1), jnp.float32)),
    )(degp, x, W1)


def _tc_layer_body(a_ref, p_ref, dinv_ref, res_ref, b_ref, w_ref,
                   h_ref, pn_ref, *, has_res):
    acc = a_ref[0:N, 0:H] + a_ref[N_ACC:N_ACC + N, 0:H]
    dinv = dinv_ref[...]
    h = jnp.maximum(dinv * (acc + p_ref[0:N, 0:H]) + b_ref[...], 0.0)
    if has_res:
        h = h + res_ref[...]
    h_ref[...] = h
    pn_ref[...] = _wide(dinv * jnp.dot(h, w_ref[...],
                                       preferred_element_type=jnp.float32))


def _tc_layer(a, p, dinv, res, b, Wn):
    body = functools.partial(_tc_layer_body, has_res=res is not None)
    if res is None:
        res = jnp.zeros((1, H), jnp.float32)
    return pl.pallas_call(
        body,
        out_shape=(jax.ShapeDtypeStruct((N, H), jnp.float32),
                   jax.ShapeDtypeStruct((N_ACC, 128), jnp.float32)),
    )(a, p, dinv, res, b, Wn)


def _tc_x4_body(a_ref, p_ref, dinv_ref, res_ref, b_ref, x4_ref):
    acc = a_ref[0:N, 0:H] + a_ref[N_ACC:N_ACC + N, 0:H]
    dinv = dinv_ref[...]
    x4_ref[...] = (jnp.maximum(dinv * (acc + p_ref[0:N, 0:H]) + b_ref[...], 0.0)
                   + res_ref[...])


def _tc_x4(a, p, dinv, res, b):
    return pl.pallas_call(
        _tc_x4_body,
        out_shape=jax.ShapeDtypeStruct((N, H), jnp.float32),
    )(a, p, dinv, res, b)


def _tc_final_body(x4_ref, batch_ref,
                   wp1_ref, bp1_ref, g1_ref, be1_ref,
                   wp2_ref, bp2_ref, g2_ref, be2_ref, z_ref):
    x4 = x4_ref[...]
    batch = batch_ref[...]
    gids = lax.broadcasted_iota(jnp.int32, (1, G), 1)
    onehot = (batch == gids).astype(jnp.float32)
    counts = jnp.sum(onehot, axis=0)
    neg_inf = jnp.float32(float("-inf"))
    sums, maxs = [], []
    for g in range(G):
        in_g = batch == g
        sums.append(jnp.sum(jnp.where(in_g, x4, 0.0), axis=0))
        maxs.append(jnp.max(jnp.where(in_g, x4, neg_inf), axis=0))
    psum = jnp.stack(sums, axis=0)
    pmax = jnp.stack(maxs, axis=0)
    pmean = psum / jnp.maximum(counts, 1.0)[:, None]
    pooled = jnp.concatenate([pmean, pmax, psum], axis=1)

    def bn(h, gamma, beta):
        mu = jnp.mean(h, axis=0, keepdims=True)
        var = jnp.mean((h - mu) * (h - mu), axis=0, keepdims=True)
        return (h - mu) / jnp.sqrt(var + 1e-5) * gamma + beta

    z = jnp.dot(pooled, wp1_ref[...], preferred_element_type=jnp.float32)
    z = z + bp1_ref[...]
    z = jnp.maximum(bn(z, g1_ref[...], be1_ref[...]), 0.0)
    z = jnp.dot(z, wp2_ref[...], preferred_element_type=jnp.float32)
    z = z + bp2_ref[...]
    z_ref[...] = bn(z, g2_ref[...], be2_ref[...])


def _tc_final(x4, batch2d, Wp1, bp1, g1, be1, Wp2, bp2, g2, be2):
    L_out = Wp2.shape[1]
    return pl.pallas_call(
        _tc_final_body,
        out_shape=jax.ShapeDtypeStruct((G, L_out), jnp.float32),
    )(x4, batch2d, Wp1, bp1, g1, be1, Wp2, bp2, g2, be2)



def kernel(x, edge_index, batch, W1, b1, W2, b2, W3, b3, W4, b4,
           Wp1, bp1, g1, be1, Wp2, bp2, g2, be2):
    src = edge_index[0]
    dst = edge_index[1]
    pad = E_PAD - E
    src_flat = jnp.concatenate([src, jnp.zeros((pad,), jnp.int32)])
    dst_flat = jnp.concatenate([dst, jnp.full((pad,), N, jnp.int32)])
    ones_wide = jnp.ones((128, 128), jnp.float32)
    z_wide = jnp.zeros((N_ACC, 128), jnp.float32)
    batch2d = batch.reshape(N, 1)

    degp = _deg_sc(dst_flat, ones_wide, z_wide)
    p1, dinv = _tc1(degp, x, W1)
    a1 = _conv_sc(p1, src_flat, dst_flat, z_wide)
    x1, p2 = _tc_layer(a1, p1, dinv, None, b1.reshape(1, H), W2)
    a2 = _conv_sc(p2, src_flat, dst_flat, z_wide)
    x2, p3 = _tc_layer(a2, p2, dinv, x1, b2.reshape(1, H), W3)
    a3 = _conv_sc(p3, src_flat, dst_flat, z_wide)
    x3, p4 = _tc_layer(a3, p3, dinv, x2, b3.reshape(1, H), W4)
    a4 = _conv_sc(p4, src_flat, dst_flat, z_wide)
    x4 = _tc_x4(a4, p4, dinv, x3, b4.reshape(1, H))
    z = _tc_final(x4, batch2d,
                  Wp1, bp1.reshape(1, -1), g1.reshape(1, -1),
                  be1.reshape(1, -1), Wp2, bp2.reshape(1, -1),
                  g2.reshape(1, -1), be2.reshape(1, -1))
    return z

# --- scband reference (transcript-rebuilt; emitter-appended) ---
"""Pipeline reference for scband-gnnencoder-48421461295706 (READ-ONLY COPY).

The authoritative reference and input builder live on the scoring server;
editing this copy changes nothing except your own understanding.
"""

import jax, jax.numpy as jnp
import numpy as np

N = 10000
E = 320000
D = 128
H = 64
L = 32
G = 16


def setup_inputs(seed: int = 0) -> dict:
    key = jax.random.key(seed)
    ks = [jax.random.fold_in(key, i) for i in range(32)]
    inp = {}
    inp['x'] = jax.random.normal(ks[0], (N, D), dtype=jnp.float32)
    inp['edge_index'] = jax.random.randint(ks[1], (2, E), 0, N, dtype=jnp.int32)
    inp['batch'] = jnp.sort(jax.random.randint(ks[2], (N,), 0, G, dtype=jnp.int32))
    def lin(k, fan_in, shape):
        return jax.random.normal(k, shape, dtype=jnp.float32) * (1.0 / np.sqrt(fan_in))
    inp['W1'] = lin(ks[3], D, (D, H)); inp['b1'] = jnp.zeros((H,), jnp.float32)
    inp['W2'] = lin(ks[4], H, (H, H)); inp['b2'] = jnp.zeros((H,), jnp.float32)
    inp['W3'] = lin(ks[5], H, (H, H)); inp['b3'] = jnp.zeros((H,), jnp.float32)
    inp['W4'] = lin(ks[6], H, (H, H)); inp['b4'] = jnp.zeros((H,), jnp.float32)
    inp['Wp1'] = lin(ks[7], 3 * H, (3 * H, 2 * H)); inp['bp1'] = jnp.zeros((2 * H,), jnp.float32)
    inp['g1'] = jnp.ones((2 * H,), jnp.float32); inp['be1'] = jnp.zeros((2 * H,), jnp.float32)
    inp['Wp2'] = lin(ks[8], 2 * H, (2 * H, L)); inp['bp2'] = jnp.zeros((L,), jnp.float32)
    inp['g2'] = jnp.ones((L,), jnp.float32); inp['be2'] = jnp.zeros((L,), jnp.float32)
    return inp


def reference(x, edge_index, batch, W1, b1, W2, b2, W3, b3, W4, b4, Wp1, bp1, g1, be1, Wp2, bp2, g2, be2):
    n = x.shape[0]
    loops = jnp.arange(n, dtype=edge_index.dtype)
    src = jnp.concatenate([edge_index[0], loops])
    dst = jnp.concatenate([edge_index[1], loops])
    deg = jax.ops.segment_sum(jnp.ones_like(src, dtype=x.dtype), dst, num_segments=n)
    dinv = jnp.where(deg > 0, 1.0 / jnp.sqrt(deg), 0.0)
    norm = dinv[src] * dinv[dst]

    def conv(h, W, b):
        hw = h @ W
        msg = hw[src] * norm[:, None]
        return jax.ops.segment_sum(msg, dst, num_segments=n) + b

    x1 = jax.nn.relu(conv(x, W1, b1))
    x2 = jax.nn.relu(conv(x1, W2, b2)) + x1
    x3 = jax.nn.relu(conv(x2, W3, b3)) + x2
    x4 = jax.nn.relu(conv(x3, W4, b4)) + x3

    counts = jax.ops.segment_sum(jnp.ones((n,), x.dtype), batch, num_segments=G)
    psum = jax.ops.segment_sum(x4, batch, num_segments=G)
    pmean = psum / jnp.maximum(counts, 1.0)[:, None]
    pmax = jax.ops.segment_max(x4, batch, num_segments=G)
    pooled = jnp.concatenate([pmean, pmax, psum], axis=1)

    def bn(h, g, be):
        mu = h.mean(axis=0)
        var = h.var(axis=0)
        return (h - mu) / jnp.sqrt(var + 1e-5) * g + be

    z = pooled @ Wp1 + bp1
    z = jax.nn.relu(bn(z, g1, be1))
    z = z @ Wp2 + bp2
    z = bn(z, g2, be2)
    return z

if __name__ == "__main__":
    import jax
    _d = setup_inputs()
    print(jax.jit(kernel)(*tuple(_d.values())))

</pallas_src>

<mosaic_0001>
#map = affine_map<(d0, d1) -> (0)>
#map1 = affine_map<(d0, d1) -> (0, 0)>
module attributes {stable_mosaic.version = 14 : i64} {
  func.func @_deg_body(%arg0: i32, %arg1: i32, %arg2: memref<327680xi32, #tpu.memory_space<hbm>>, %arg3: memref<128x128xf32, #tpu.memory_space<hbm>>, %arg4: memref<10112x128xf32, #tpu.memory_space<hbm>>, %arg5: memref<20224x128xf32, #tpu.memory_space<hbm>>, %arg6: memref<128xi32, #tpu.memory_space<vmem>>, %arg7: memref<128x128xf32, #tpu.memory_space<vmem>>, %arg8: memref<10112x128xf32, #tpu.memory_space<vmem_shared>>) attributes {dimension_semantics = [#tpu.dimension_semantics<core_parallel>, #tpu.dimension_semantics<subcore_parallel>], iteration_bounds = array<i64: 2, 16>, scalar_prefetch = 0 : i64, scratch_operands = 3 : i64, tpu.core_type = #tpu.core_type<sc_vector_subcore>, window_params = [{transform_indices = #map}, {transform_indices = #map1}, {transform_indices = #map1}, {transform_indices = #map1}]} {
    %mul3A = arith.constant 632 : i32
    %mul3A_0 = arith.muli %arg1, %mul3A : i32
    "tpu.region"() ({
      %run_scoped3A = tpu.sem_alloc : memref<!tpu.dma_semaphore, #tpu.memory_space<semaphore_mem>>
      %dma_start3A = arith.constant 0 : i32
      %dma_start3A_14 = tpu.memref_slice %arg8[%mul3A_0, %dma_start3A] : memref<10112x128xf32, #tpu.memory_space<vmem_shared>> -> memref<632x128xf32, #tpu.memory_space<vmem_shared>>
      %dma_start3A_15 = arith.constant 0 : i32
      %dma_start3A_16 = tpu.memref_slice %arg4[%mul3A_0, %dma_start3A_15] : memref<10112x128xf32, #tpu.memory_space<hbm>> -> memref<632x128xf32, #tpu.memory_space<hbm>>
      tpu.enqueue_dma source(%dma_start3A_16 : memref<632x128xf32, #tpu.memory_space<hbm>>) target(%dma_start3A_14 : memref<632x128xf32, #tpu.memory_space<vmem_shared>>) target_semaphore(%run_scoped3A : memref<!tpu.dma_semaphore, #tpu.memory_space<semaphore_mem>>)
      %dma_wait3A = arith.constant 0 : i32
      %dma_wait3A_17 = tpu.memref_slice %arg8[%mul3A_0, %dma_wait3A] : memref<10112x128xf32, #tpu.memory_space<vmem_shared>> -> memref<632x128xf32, #tpu.memory_space<vmem_shared>>
      %dma_wait3A_18 = arith.constant 0 : i32
      %dma_wait3A_19 = tpu.memref_slice %arg4[%mul3A_0, %dma_wait3A_18] : memref<10112x128xf32, #tpu.memory_space<hbm>> -> memref<632x128xf32, #tpu.memory_space<hbm>>
      tpu.wait_dma2 semaphore(%run_scoped3A : memref<!tpu.dma_semaphore, #tpu.memory_space<semaphore_mem>>) src(%dma_wait3A_19 : memref<632x128xf32, #tpu.memory_space<hbm>>) dst(%dma_wait3A_17 : memref<632x128xf32, #tpu.memory_space<vmem_shared>>)
      tpu.yield
    }) : () -> ()
    "tpu.region"() ({
      %run_scoped3A = tpu.sem_alloc : memref<!tpu.dma_semaphore, #tpu.memory_space<semaphore_mem>>
      tpu.enqueue_dma source(%arg3 : memref<128x128xf32, #tpu.memory_space<hbm>>) target(%arg7 : memref<128x128xf32, #tpu.memory_space<vmem>>) target_semaphore(%run_scoped3A : memref<!tpu.dma_semaphore, #tpu.memory_space<semaphore_mem>>)
      tpu.wait_dma2 semaphore(%run_scoped3A : memref<!tpu.dma_semaphore, #tpu.memory_space<semaphore_mem>>) src(%arg3 : memref<128x128xf32, #tpu.memory_space<hbm>>) dst(%arg7 : memref<128x128xf32, #tpu.memory_space<vmem>>)
      tpu.yield
    }) : () -> ()
    %mul3A_1 = arith.constant 16 : i32
    %mul3A_2 = arith.muli %arg0, %mul3A_1 : i32
    %add3A = arith.addi %mul3A_2, %arg1 : i32
    %mul3A_3 = arith.constant 10240 : i32
    %mul3A_4 = arith.muli %add3A, %mul3A_3 : i32
    %barrier3A = arith.constant 0 : index
    tpu.barrier barrier_id(%barrier3A)
    %scan3A = arith.constant 0 : i32
    %scan3A_5 = arith.constant 0 : i32
    %scan3A_6 = arith.constant 80 : i32
    %scan3A_7 = arith.addi %scan3A_5, %scan3A_6 : i32
    %scan3A_8 = arith.constant 1 : i32
    scf.for %scan3A_14 = %scan3A_5 to %scan3A_7 step %scan3A_8  : i32 {
      %mul3A_15 = arith.constant 128 : i32
      %mul3A_16 = arith.muli %scan3A_14, %mul3A_15 : i32
      %add3A_17 = arith.addi %mul3A_4, %mul3A_16 : i32
      "tpu.region"() ({
        %run_scoped3A = tpu.sem_alloc : memref<!tpu.dma_semaphore, #tpu.memory_space<semaphore_mem>>
        %dma_start3A = tpu.memref_slice %arg2[%add3A_17] : memref<327680xi32, #tpu.memory_space<hbm>> -> memref<128xi32, #tpu.memory_space<hbm>>
        %dma_start3A_18 = tpu.memref_slice %arg2[%add3A_17] : memref<327680xi32, #tpu.memory_space<hbm>> -> memref<128xi32, #tpu.memory_space<hbm>>
        tpu.enqueue_dma source(%dma_start3A_18 : memref<128xi32, #tpu.memory_space<hbm>>) target(%arg6 : memref<128xi32, #tpu.memory_space<vmem>>) target_semaphore(%run_scoped3A : memref<!tpu.dma_semaphore, #tpu.memory_space<semaphore_mem>>)
        %dma_wait3A = tpu.memref_slice %arg2[%add3A_17] : memref<327680xi32, #tpu.memory_space<hbm>> -> memref<128xi32, #tpu.memory_space<hbm>>
        %dma_wait3A_19 = tpu.memref_slice %arg2[%add3A_17] : memref<327680xi32, #tpu.memory_space<hbm>> -> memref<128xi32, #tpu.memory_space<hbm>>
        tpu.wait_dma2 semaphore(%run_scoped3A : memref<!tpu.dma_semaphore, #tpu.memory_space<semaphore_mem>>) src(%dma_wait3A_19 : memref<128xi32, #tpu.memory_space<hbm>>) dst(%arg6 : memref<128xi32, #tpu.memory_space<vmem>>)
        tpu.yield
      }) : () -> ()
      "tpu.region"() ({
        %run_scoped3A = tpu.sem_alloc : memref<!tpu.dma_semaphore, #tpu.memory_space<semaphore_mem>>
        %dma_start3A = arith.constant 0 : i32
        %dma_start3A_18 = arith.constant 0 : i32
        %dma_start3A_19 = tpu.memref_slice %arg8[%dma_start3A, %dma_start3A_18] : memref<10112x128xf32, #tpu.memory_space<vmem_shared>> -> memref<10112x128xf32, #tpu.memory_space<vmem_shared>>
        tpu.enqueue_indirect_dma source(%arg7 : memref<128x128xf32, #tpu.memory_space<vmem>>) target(%dma_start3A_19 : memref<10112x128xf32, #tpu.memory_space<vmem_shared>>) offsets(%arg6 : memref<128xi32, #tpu.memory_space<vmem>>) semaphore(%run_scoped3A : memref<!tpu.dma_semaphore, #tpu.memory_space<semaphore_mem>>) {add = true}
        %dma_wait3A = arith.constant 0 : i32
        %dma_wait3A_20 = arith.constant 0 : i32
        %dma_wait3A_21 = tpu.memref_slice %arg8[%dma_wait3A, %dma_wait3A_20] : memref<10112x128xf32, #tpu.memory_space<vmem_shared>> -> memref<10112x128xf32, #tpu.memory_space<vmem_shared>>
        tpu.wait_indirect_dma semaphore(%run_scoped3A : memref<!tpu.dma_semaphore, #tpu.memory_space<semaphore_mem>>) src(%arg7 : memref<128x128xf32, #tpu.memory_space<vmem>>) dst(%dma_wait3A_21 : memref<10112x128xf32, #tpu.memory_space<vmem_shared>>)
        tpu.yield
      }) : () -> ()
    }
    %scan3A_9 = arith.constant 80 : i32
    %barrier3A_10 = arith.constant 0 : index
    tpu.barrier barrier_id(%barrier3A_10)
    %mul3A_11 = arith.constant 10112 : i32
    %mul3A_12 = arith.muli %arg0, %mul3A_11 : i32
    %add3A_13 = arith.addi %mul3A_12, %mul3A_0 : i32
    "tpu.region"() ({
      %run_scoped3A = tpu.sem_alloc : memref<!tpu.dma_semaphore, #tpu.memory_space<semaphore_mem>>
      %dma_start3A = arith.constant 0 : i32
      %dma_start3A_14 = tpu.memref_slice %arg5[%add3A_13, %dma_start3A] : memref<20224x128xf32, #tpu.memory_space<hbm>> -> memref<632x128xf32, #tpu.memory_space<hbm>>
      %dma_start3A_15 = arith.constant 0 : i32
      %dma_start3A_16 = tpu.memref_slice %arg8[%mul3A_0, %dma_start3A_15] : memref<10112x128xf32, #tpu.memory_space<vmem_shared>> -> memref<632x128xf32, #tpu.memory_space<vmem_shared>>
      tpu.enqueue_dma source(%dma_start3A_16 : memref<632x128xf32, #tpu.memory_space<vmem_shared>>) target(%dma_start3A_14 : memref<632x128xf32, #tpu.memory_space<hbm>>) target_semaphore(%run_scoped3A : memref<!tpu.dma_semaphore, #tpu.memory_space<semaphore_mem>>)
      %dma_wait3A = arith.constant 0 : i32
      %dma_wait3A_17 = tpu.memref_slice %arg5[%add3A_13, %dma_wait3A] : memref<20224x128xf32, #tpu.memory_space<hbm>> -> memref<632x128xf32, #tpu.memory_space<hbm>>
      %dma_wait3A_18 = arith.constant 0 : i32
      %dma_wait3A_19 = tpu.memref_slice %arg8[%mul3A_0, %dma_wait3A_18] : memref<10112x128xf32, #tpu.memory_space<vmem_shared>> -> memref<632x128xf32, #tpu.memory_space<vmem_shared>>
      tpu.wait_dma2 semaphore(%run_scoped3A : memref<!tpu.dma_semaphore, #tpu.memory_space<semaphore_mem>>) src(%dma_wait3A_19 : memref<632x128xf32, #tpu.memory_space<vmem_shared>>) dst(%dma_wait3A_17 : memref<632x128xf32, #tpu.memory_space<hbm>>)
      tpu.yield
    }) : () -> ()
    return
  }
}

</mosaic_0001>

<sc_bundles>
// kernel: _deg_sc.3.cloned.1.call-start
scs
__scs_entry_jumppad:
0x0: {  	(pc) =	sbr.rel $0x88, $3  }
0x1: {  	(tag) =	ssettag $0x0;
	lr =	simm.s32 $0x1  }
0x2: {  	[smem:$0x3F9E] =	sst lr;
	_ =	strace $0xD0000000  }
0x3: {  	_ = 	snop  }
0x4: {  	_ = 	snop  }
0x5: {  	_ = 	snop  }
0x6: {  	_ = 	snop  }
0x7: {  	_ = 	snop  }
__scs_overlays_trampoline_lowered:
0x8: {  	[smem:$0x3FAD] =	sst s0  }
0x9: {  	[smem:$0x3FAE] =	sst s1  }
0xa: {  	[smem:$0x3FAF] =	sst s2  }
0xb: {  	[smem:$0x3FB0] =	sst s3  }
0xc: {  	[smem:$0x3FB1] =	sst s4  }
0xd: {  	[smem:$0x3FB2] =	sst s5  }
0xe: {  	[smem:$0x3FB3] =	sst s6  }
0xf: {  	[smem:$0x3FB4] =	sst s7  }
0x10: {  	[smem:$0x3FB5] =	sst s8  }
0x11: {  	[smem:$0x3FB6] =	sst s9;
	s0 =	simm.s32 @!p0 $0x0  }
0x12: {  	s1 =	sld [smem:$0x3F9C];
	s0 =	simm.s32 @p0 $0x1  }
0x13: {  	[smem:$0x3FB7] =	sst s0;
	s0 =	simm.s32 @!p1 $0x0  }
0x14: {  	s2 =	sld [smem:$0x3F9B];
	s0 =	simm.s32 @p1 $0x1  }
0x15: {  	[smem:$0x3FB8] =	sst s0;
	s0 =	simm.s32 @!p2 $0x0  }
0x16: {  	s3 =	sld [smem:$0x3FDB];
	s0 =	simm.s32 @p2 $0x1  }
0x17: {  	s4 =	simm.s32 $0x1BF5;
	[smem:$0x3FBA] =	sst s0  }
0x18: {  	s0 =	sld [smem:$0x3F9D];
	_ =	swait.ge [sflag:s4], $0x0  }
0x19: {  	s7 =	sld [smem:$0x3F9E]  }
0x1a: {  	s8 =	sadd.s32 $0xFFFFE003, lr  }
0x1b: {  	s9 =	sadd.s32 $0xFFFFFEF7, lr;
	s5 =	simm.s32 $0xFFFFFFFF;
	p2 =	slt.u32 s8, $0xFFFFF086  }
0x1c: {  	p1 =	slt.u32 s9, $0xF7A;
	s5 =	simm.s32 @!p2 $0x0  }
0x1d: {  	s5 =	simm.s32 @p1 $0x1;
	p0 =	seq.s32 s7, s2  }
0x1e: {  	s7 =	smul.u32 @!p0 $0xF7A, s2;
	p2 =	seq.s32 @!p0 s5, $0x0  }
0x1f: {  	s9 =	smul.u32 $0xF7A, s1;
	s8 =	simm.s32 @!p0 $0x1BF5;
	p2 =	por !p2, p0  }
0x20: {  	[sflag:s8] =	ssyncset.s32 @!p0 $0xFFFFF086;
	s6 =	sadd.s32 @!p0 s3, s7;
	s7 =	simm.s32 @!p0 $0x108  }
0x21: {  	s3 =	sadd.s32 s3, s9;
	s6 =	sadd.s32 @!p0 $0x88, s6;
	s7 =	simm.s32 @p2 $0x1082  }
0x22: {  	[simem:s7], [sflag:s8] =	dma.local @!p0 [hbm:s6], $0xF7A  }
0x23: {  	s9 =	sor.u32 $0xD0000000, s2;
	s6 =	simm.s32 $0x108;
	_ =	swait.ge @!p0 [sflag:s8], $0x0  }
0x24: {  	s3 =	sadd.s32 $0x88, s3;
	s6 =	simm.s32 @!p1 $0x1082;
	[sflag:s4] =	ssyncset.s32 $0xFFFFF086  }
0x25: {  	[simem:s6], [sflag:s4] =	dma.local [hbm:s3], $0xF7A  }
0x26: {  	[smem:$0x3F9E] =	sst s1;
	(tag) =	ssettag s2;
	_ =	strace s9  }
0x27: {  	s1 =	sld [smem:$0x3FAE]  }
0x28: {  	s2 =	sld [smem:$0x3FAF]  }
0x29: {  	s4 =	sld [smem:$0x3FB1]  }
0x2a: {  	p0 =	seq.s32 s5, $0x0;
	s5 =	sld [smem:$0x3FB2]  }
0x2b: {  	s6 =	sld [smem:$0x3FB3]  }
0x2c: {  	s7 =	sld [smem:$0x3FB4]  }
0x2d: {  	s3 =	simm.s32 $0x108;
	s8 =	sld [smem:$0x3FB5]  }
0x2e: {  	s3 =	simm.s32 @!p0 $0x1082;
	s9 =	sld [smem:$0x3FB6]  }
0x2f: {  	lr =	sadd.s32 s0, s3;
	s0 =	sld [smem:$0x3FAD]  }
0x30: {  	s3 =	sld [smem:$0x3FB0]  }
0x31: {  	[smem:$0x3FB9] =	sst s10  }
0x32: {  	s10 =	sld [smem:$0x3FB7];
	_ =	sdelay $0x3  }
0x33: {  	p0 =	seq.s32 s10, $0x1;
	s10 =	sld [smem:$0x3FB9];
	_ =	sdelay $0x3  }
0x34: {  	[smem:$0x3FB9] =	sst s10  }
0x35: {  	s10 =	sld [smem:$0x3FB8];
	_ =	sdelay $0x3  }
0x36: {  	p1 =	seq.s32 s10, $0x1;
	s10 =	sld [smem:$0x3FB9];
	_ =	sdelay $0x3  }
0x37: {  	[smem:$0x3FB9] =	sst s10  }
0x38: {  	s10 =	sld [smem:$0x3FBA]  }
0x39: {  	_ = 	snop;
	(pc) =	sbr.ind lr, $3  }
0x3a: {  	_ = 	snop  }
0x3b: {  	_ = 	snop  }
0x3c: {  	p2 =	seq.s32 s10, $0x1;
	s10 =	sld [smem:$0x3FB9]  }
0x3d: {  	_ =	shalt  }
0x3e: {  	_ =	shalt  }
0x3f: {  	_ =	shalt  }
0x40: {  	_ =	shalt  }
0x41: {  	_ =	shalt  }
0x42: {  	_ =	shalt  }
0x43: {  	_ =	shalt  }
0x44: {  	_ =	shalt  }
0x45: {  	_ =	shalt  }
0x46: {  	_ =	shalt  }
0x47: {  	_ =	shalt  }
0x48: {  	_ =	shalt  }
0x49: {  	_ =	shalt  }
0x4a: {  	_ =	shalt  }
0x4b: {  	_ =	shalt  }
0x4c: {  	_ =	shalt  }
0x4d: {  	_ =	shalt  }
0x4e: {  	_ =	shalt  }
0x4f: {  	_ =	shalt  }
0x50: {  	_ =	shalt  }
0x51: {  	_ =	shalt  }
0x52: {  	_ =	shalt  }
0x53: {  	_ =	shalt  }
0x54: {  	_ =	shalt  }
0x55: {  	_ =	shalt  }
0x56: {  	_ =	shalt  }
0x57: {  	_ =	shalt  }
0x58: {  	_ =	shalt  }
0x59: {  	_ =	shalt  }
0x5a: {  	_ =	shalt  }
0x5b: {  	_ =	shalt  }
0x5c: {  	_ =	shalt  }
0x5d: {  	_ =	shalt  }
0x5e: {  	_ =	shalt  }
0x5f: {  	_ =	shalt  }
0x60: {  	_ =	shalt  }
0x61: {  	_ =	shalt  }
0x62: {  	_ =	shalt  }
0x63: {  	_ =	shalt  }
0x64: {  	_ =	shalt  }
0x65: {  	_ =	shalt  }
0x66: {  	_ =	shalt  }
0x67: {  	_ =	shalt  }
0x68: {  	_ =	shalt  }
0x69: {  	_ =	shalt  }
0x6a: {  	_ =	shalt  }
0x6b: {  	_ =	shalt  }
0x6c: {  	_ =	shalt  }
0x6d: {  	_ =	shalt  }
0x6e: {  	_ =	shalt  }
0x6f: {  	_ =	shalt  }
0x70: {  	_ =	shalt  }
0x71: {  	_ =	shalt  }
0x72: {  	_ =	shalt  }
0x73: {  	_ =	shalt  }
0x74: {  	_ =	shalt  }
0x75: {  	_ =	shalt  }
0x76: {  	_ =	shalt  }
0x77: {  	_ =	shalt  }
0x78: {  	_ =	shalt  }
0x79: {  	_ =	shalt  }
0x7a: {  	_ =	shalt  }
0x7b: {  	_ =	shalt  }
0x7c: {  	_ =	shalt  }
0x7d: {  	_ =	shalt  }
0x7e: {  	_ =	shalt  }
0x7f: {  	_ =	shalt  }
0x80: {  	_ =	shalt  }
0x81: {  	_ =	shalt  }
0x82: {  	_ =	shalt  }
0x83: {  	_ =	shalt  }
0x84: {  	_ =	shalt  }
0x85: {  	_ =	shalt  }
0x86: {  	_ =	shalt  }
0x87: {  	_ =	shalt  }
.Lfunc_end0:
.L_simem_size_0:
called_computation_lowered:
.L_overlay_start_0:
0x88: {  	s2 =	sld [smem:$0x3FD9]  }
0x89: {  	s3 =	sld [smem:$0x3FFE];
	_ =	sdelay $0x1  }
0x8a: {  	s1 =	srdreg.scid  }
0x8b: {  	s0 =	sand.u32 $0x1, s1  }
0x8c: {  	s18 =	sshll.u32 s0, $0xA;
	s2 =	sadd.s32 s3, s2  }
0x8d: {  	s2 =	sadd.s32 s2, s18  }
0x8e: {  	[smem:$0x3FC5] =	sst s2  }
0x8f: {  	_ = 	snop  }
0x90: {  	s2 =	sld [smem:$0x3FC9]  }
0x91: {  	s19 =	sld [smem:$0x3FC8]  }
0x92: {  	s4 =	sld [smem:$0x3FC7]  }
0x93: {  	s5 =	sld [smem:$0x3FD0];
	(tm) =	ssettm $0x1  }
0x94: {  	s6 =	sld [smem:$0x3FFB];
	_ =	sdelay $0x3  }
0x95: {  	_ =	strace s6  }
0x96: {  	s6 =	sld [smem:$0x3FFC];
	_ =	sdelay $0x3  }
0x97: {  	_ =	strace s6  }
0x98: {  	s6 =	sld [smem:$0x3FFD];
	_ =	sdelay $0x3  }
0x99: {  	_ =	strace s6  }
0x9a: {  	_ =	strace $0x8FFFFFFF  }
0x9b: {  	s20 =	sld [smem:$0x3FDB];
	_ =	sdelay $0x1  }
0x9c: {  	s7 =	simm.s32 $_scs_section_size  }
0x9d: {  	s8 =	simm.s32 $_size__tile_overlayer_lowered;
	s9 =	simm.s32 $_tile_overlayer_lowered  }
0x9e: {  	s23 =	simm.s32 $0x1BFF;
	s22 =	sshll.u32 s9, $0x1;
	s6 =	sadd.s32 s7, s20  }
0x9f: {  	s10 =	simm.s32 $0x0;
	s21 =	sshll.u32 s8, $0x1;
	s8 =	sadd.s32 s22, s6  }
0xa0: {  	[timem:s10], [sflag:s23] =	dma.local [hbm:s8], s21  }
0xa1: {  	_ =	swait.ge [sflag:s23], s21  }
0xa2: {  	s7 =	ssub.s32 $0x0, s21;
	[sflag:s23] =	ssyncset.done $0x0  }
0xa3: {  	[sflag:s23] =	ssyncadd.s32 s7;
	_ =	sdelay $0x1  }
0xa4: {  	s24 =	simm.s32 $0x1B8B  }
0xa5: {  	_ =	swait.ge [sflag:s24], $0x1  }
0xa6: {  	[sflag:s24] =	ssyncset.done $0x0  }
0xa7: {  	s25 =	simm.s32 $0x1B8E;
	[sflag:s24] =	ssyncadd.s32 $0xFFFFFFFF  }
0xa8: {  	s26 =	simm.s32 $execute0_lowered;
	[smem:$0x3FD2] =	sst s25  }
0xa9: {  	s7 =	sshll.u32 s26, $0x1;
	_ =	strace $0x80000046;
	[dreg:$0x1] =	wrdreg $0xFFFFFFFF  }
0xaa: {  	s28 =	simm.s32 $_size_execute0_lowered;
	s6 =	sadd.s32 s6, s7;
	[dreg:$0x0] =	wrdreg $0x0  }
0xab: {  	s7 =	sshll.u32 s28, $0x1;
	[dreg:$0x2] =	wrdreg s6  }
0xac: {  	[dreg:$0x3] =	wrdreg s7  }
0xad: {  	[dreg:$0x4] =	wrdreg $0xC0  }
0xae: {  	_ =	task [dreg:s10], $0x5FFFF  }
0xaf: {  	[dreg:$0x1] =	wrdreg $0xFFFFFFFF  }
0xb0: {  	[dreg:$0x0] =	wrdreg $0x60  }
0xb1: {  	[dreg:$0x2] =	wrdreg s2  }
0xb2: {  	[dreg:$0x3] =	wrdreg s19  }
0xb3: {  	[dreg:$0x4] =	wrdreg s4  }
0xb4: {  	[dreg:$0x5] =	wrdreg s5  }
0xb5: {  	[dreg:$0x6] =	wrdreg $0x40800  }
0xb6: {  	[dreg:$0x7] =	wrdreg $0x9  }
0xb7: {  	_ =	task.clear_ibuf [dreg:s10], $0x8FFFF;
	_ =	strace $0x90000046  }
0xb8: {  	s29 =	simm.s32 $0x9;
	_ =	strace $0x80000048  }
0xb9: {  	_ =	swait.ge [sflag:s29], $0x1  }
0xba: {  	[sflag:s29] =	ssyncadd.s32 $0xFFFFFFFF  }
0xbb: {  	_ =	strace $0x90000048  }
0xbc: {  	_ =	sfence  }
0xbd: {  	s30 =	sld [smem:$0x0];
	_ =	sdelay $0x2  }
0xbe: {  	s31 =	sshll.u32 s1, $0xD;
	s1 =	sshrl.u32 s1, $0x2  }
0xbf: {  	s3 =	sand.u32 $0x4000, s31;
	s1 =	sadd.s32 s1, s30  }
0xc0: {  	s0 =	sor.u32 s3, s0;
	s1 =	sshll.u32 s1, $0x11  }
0xc1: {  	s0 =	sor.u32 s1, s0  }
0xc2: {  	s0 =	sadd.s32 $0x8F2B, s0  }
0xc3: {  	[sflag:s0] =	ssyncadd.remote.s32 $0x1  }
0xc4: {  	_ =	sfence.sel $0xFFFF  }
0xc5: {  	[dreg:$0x0] =	wrdreg $0xFFFFFFFF;
	(pc) =	sbr.abs _section_cstart, $3  }
0xc6: {  	[dreg:$0x1] =	wrdreg $0xFFFFFFFF  }
0xc7: {  	_ =	task.clear_ibuf [dreg:s10], $0x2FFFF;
	_ =	strace $0x9FFFFFFF  }
0xc8: {  	(tm) =	ssettm $0x7FFFFFFF  }
0xc9: {  	_ =	shalt  }
tec
execute0_lowered:
.L_overlay_start_1:
0x0: {  	(tag) =	ssettag $0x1  }
0x1: {  	s8 =	rddreg [dreg:$0x0]  }
0x2: {  	s1 =	rddreg [dreg:$0x1]  }
0x3: {  	s5 =	rddreg [dreg:$0x2]  }
0x4: {  	s7 =	rddreg [dreg:$0x3]  }
0x5: {  	s3 =	rddreg [dreg:$0x4];
	s2 =	stileid.u32  }
0x6: {  	s0 =	rddreg [dreg:$0x5];
	s10 =	smul.u32 $0x4F000, s2  }
0x7: {  	s6 =	srdreg.scid;
	s12 =	smul.u32 $0x2780, s2  }
0x8: {  	s4 =	simm.s32 $0x0;
	s6 =	sand.u32 $0x1, s6;
	s30 =	smul.u32 $0x500, s2  }
0x9: {  	[smem:$0x7FF] =	sst s4;
	s29 =	sshll.u32 s2, $0x6;
	s28 =	smul.u32 $0x27800, s6  }
0xa: {  	s9 =	ssub.s32 $0x2, s6;
	_ =	strace $0x80000047;
	s13 =	smul.u32 $0x5000, s6  }
0xb: {  	s6 =	sor.u32 $0x1C01, s29;
	s11 =	sshrl.u32 s9, $0x1;
	s10 =	sshrl.u32 s10, $0x2  }
0xc: {  	s5 =	sadd.s32 s5, s12;
	s9 =	ssub.s32 s9, s11;
	s10 =	sadd.s32 s10, s3  }
0xd: {  	s11 =	sadd.s32 s12, s28;
	s31 =	sadd.s32 s13, s8;
	s12 =	simm.s32 $0x80  }
0xe: {  	s13 =	simm.s32 $0x0;
	s7 =	sadd.s32 s7, s11;
	s8 =	smax.u32 s9, $0x1  }
0xf: {  	s9 =	sadd.s32 s30, s31;
	s10 =	sshrl.u32 s10, $0x3;
	s11 =	simm.s32 $0x1  }
.LBB2_1:
0x10: {  	[spmem:s10], [sflag:s6] =	dma.local [hbm:s5], $0x2780  }
0x11: {  	_ =	swait.ge [sflag:s11], $0x2780  }
0x12: {  	[sflag:s11] =	ssyncset.done $0x0  }
0x13: {  	[sflag:s11] =	ssyncadd.s32 $0xFFFFD880  }
0x14: {  	[tilespmem:s12], [sflag:$0x1] =	stream.linear.gather [hbm4b:s1+s4], $0x4000, $0x38;
	[tilespmem:$0x17C80] =	vst v63  }
0x15: {  	_ =	swait.ge [sflag:s11], $0x4000  }
0x16: {  	[sflag:s11] =	ssyncset.done $0x0  }
0x17: {  	[sflag:s11] =	ssyncadd.s32 $0xFFFFC000  }
0x18: {  	s14 =	sadd.s32 $0x0, s9;
	[bflag:$0x0] =	sbarrier.arrive $0xFFFF  }
0x19: {  	[tilespmem:s4], [sflag:$0x1] =	stream.linear.gather [hbm4b:s14+s4], $0x80, $0x38;
	[tilespmem:$0x17C80] =	vst v63  }
0x1a: {  	_ =	swait.ge [sflag:s11], $0x80  }
0x1b: {  	[sflag:s11] =	ssyncset.done $0x0  }
0x1c: {  	[sflag:s11] =	ssyncadd.s32 $0xFFFFFF80  }
0x1d: {  	[spmem:s3] =	stream.indirect.scatter.add.f32 [tilespmem:s12], [sflag:$0x1], $0x80, s4, s12, $0xb8;
	[tilespmem:$0x17C80] =	vst v63  }
0x1e: {  	_ =	swait.ge [sflag:s11], $0x4000  }
0x1f: {  	s15 =	simm.s32 $0x20;
	s14 =	simm.s32 $0x10;
	[sflag:s11] =	ssyncset.done $0x0  }
.LBB2_2:
0x20: {  	s16 =	sadd.s32 s14, s9  }
0x21: {  	[sflag:s11] =	ssyncadd.s32 $0xFFFFC000;
	s14 =	smov.u32 s15;
	s17 =	sadd.s32 $0x10, s15  }
0x22: {  	[tilespmem:s4], [sflag:$0x1] =	stream.linear.gather [hbm4b:s16+s4], $0x80, $0x38;
	[tilespmem:$0x17C80] =	vst v63  }
0x23: {  	p0 =	sne.s32 s15, $0x4F0;
	_ =	swait.ge [sflag:s11], $0x80  }
.Ltmp0:
0x24: {  	[sflag:s11] =	ssyncset.done $0x0;
	(pc) =	sbr.rel @p0 .LBB2_2-.Ltmp0, $4  }
0x25: {  	[sflag:s11] =	ssyncadd.s32 $0xFFFFFF80  }
0x26: {  	[spmem:s3] =	stream.indirect.scatter.add.f32 [tilespmem:s12], [sflag:$0x1], $0x80, s4, s12, $0xb8;
	[tilespmem:$0x17C80] =	vst v63  }
0x27: {  	_ =	swait.ge [sflag:s11], $0x4000  }
0x28: {  	s15 =	smov.u32 s17;
	[sflag:s11] =	ssyncset.done $0x0  }
0x29: {  	s14 =	sadd.s32 s14, s9;
	[sflag:s11] =	ssyncadd.s32 $0xFFFFC000  }
0x2a: {  	[tilespmem:s4], [sflag:$0x1] =	stream.linear.gather [hbm4b:s14+s4], $0x80, $0x38;
	[tilespmem:$0x17C80] =	vst v63  }
0x2b: {  	_ =	swait.ge [sflag:s11], $0x80  }
0x2c: {  	[sflag:s11] =	ssyncset.done $0x0  }
0x2d: {  	[sflag:s11] =	ssyncadd.s32 $0xFFFFFF80  }
0x2e: {  	[spmem:s3] =	stream.indirect.scatter.add.f32 [tilespmem:s12], [sflag:$0x1], $0x80, s4, s12, $0xb8;
	[tilespmem:$0x17C80] =	vst v63  }
0x2f: {  	_ =	swait.ge [sflag:s11], $0x4000  }
0x30: {  	s13 =	sadd.s32 $0x1, s13;
	[sflag:s11] =	ssyncset.done $0x0  }
0x31: {  	p0 =	sne.s32 s13, s8;
	[sflag:s11] =	ssyncadd.s32 $0xFFFFC000  }
.Ltmp1:
0x32: {  	[bflag:$0x0] =	sbarrier.arrive $0xFFFF;
	(pc) =	sbr.rel @p0 .LBB2_1-.Ltmp1, $4  }
0x33: {  	[hbm:s7], [sflag:s6] =	dma.local [spmem:s10], $0x2780  }
0x34: {  	_ =	swait.ge [sflag:s11], $0x2780  }
0x35: {  	[sflag:s11] =	ssyncset.done $0x0  }
0x36: {  	[sflag:s11] =	ssyncadd.s32 $0xFFFFD880  }
0x37: {  	_ =	sfence.sel $0x180000  }
0x38: {  	[bflag:$0x0] =	sbarrier.arrive $0xFFFF  }
0x39: {  	p0 =	sne.s32 s2, $0x0;
	_ =	strace $0x90000047  }
0x3a: {  	s0 =	sadd.s32 @!p0 $0x100000, s0;
	[bflag:$0x2] =	sbarrier.arrive $0xFFFF  }
0x3b: {  	[sflag:s0] =	ssyncadd.tile.s32 @!p0 $0x1;
	_ =	shalt  }
.Lfunc_end2:
_tile_overlayer_lowered:
.L_overlay_start_2:
0x3c: {  	(tag) =	ssettag $0x2  }
0x3d: {  	s0 =	rddreg [dreg:$0x0];
	s2 =	stileid.u32  }
0x3e: {  	s1 =	rddreg [dreg:$0x1];
	p0 =	sne.s32 s2, $0x0  }
0x3f: {  	s3 =	rddreg [dreg:$0x2];
	[bflag:$0x3] =	sbarrier.arrive $0xFFFF;
	s2 =	simm.s32 @!p0 $0x1C01  }
0x40: {  	[timem:s3], [sflag:s2] =	dma.local @!p0 [hbm:s0], s1  }
0x41: {  	s0 =	simm.s32 @!p0 $0x1  }
0x42: {  	_ =	swait.ge @!p0 [sflag:s0], s1  }
0x43: {  	s1 =	ssub.s32 @!p0 $0x0, s1;
	[sflag:s0] =	ssyncset.done @!p0 $0x0  }
0x44: {  	[sflag:s0] =	ssyncadd.s32 @!p0 s1  }
0x45: {  	[bflag:$0x3] =	sbarrier.arrive $0xFFFF  }
0x46: {  	_ =	shalt  }

</sc_bundles>
